<compile_context>
chip_gen: v7x
topology: tpu7x:2x2x1
jax: 0.10.2.dev20260603
libtpu: 0.0.44.dev20260713+nightly
codegen_flags: <defaults>
</compile_context>

<pallas_src>
import jax
import jax.numpy as jnp
from jax.experimental import pallas as pl
from jax.experimental.pallas import tpu as pltpu

_MLP_LIST = [[64, 64, 128], [64, 96, 128]]
_KNN = [16, 32]
_INC = 16
_EMBED = 256
_THR = 0.5


def _binary_mask(aff_map, threshold=0.5, min_coverage=0.1):
    B, N, _ = aff_map.shape
    base_mask = (aff_map > threshold).astype(jnp.float32)
    valid_batch = (jnp.sum(base_mask, axis=1, keepdims=True) > 0).astype(jnp.float32)
    adjust_mask = (1.0 - valid_batch).astype(bool)
    sorted_values = jnp.flip(jnp.sort(aff_map, axis=1), axis=1)
    k_min = max(1, int(min_coverage * N))
    dyn_min = sorted_values[:, k_min - 1:k_min, :]
    final_threshold = jnp.where(adjust_mask, dyn_min, jnp.full_like(dyn_min, threshold))
    final_threshold = jnp.broadcast_to(final_threshold, (B, N, 1))
    hard_mask = (aff_map >= final_threshold).astype(jnp.float32)
    return hard_mask


def _knn_gather(points, coords, qcoords, k):
    d2 = (jnp.sum(qcoords ** 2, axis=-1)[:, :, None]
          + jnp.sum(coords ** 2, axis=-1)[:, None, :]
          - 2.0 * jnp.einsum('bqc,bnc->bqn', qcoords, coords))
    dist = jnp.sqrt(jnp.clip(d2, 0.0, None))
    _, idx = jax.lax.top_k(-dist, k)
    grouped = jax.vmap(lambda p, i: p[i])(points, idx)
    return grouped


def _conv1x1(x, w, b):
    return jnp.einsum('bcnk,oc->bonk', x, w) + b[None, :, None, None]


def _bn_plain(x):
    mean = jnp.mean(x, axis=(0, 2, 3), keepdims=True)
    var = jnp.mean((x - mean) ** 2, axis=(0, 2, 3), keepdims=True)
    return (x - mean) / jnp.sqrt(var + 1e-5)


def _bn_masked(x, aff, w, b):
    B, C, N, k = x.shape
    a = aff.reshape(B, 1, N, 1)
    vc = jnp.sum(a, axis=(0, 2, 3), keepdims=True) + 1e-5
    mean = jnp.sum(x * a, axis=(0, 2, 3), keepdims=True) / vc
    var = jnp.sum(((x - mean) ** 2) * a, axis=(0, 2, 3), keepdims=True) / vc
    xn = (x - mean) / jnp.sqrt(var + 1e-5)
    return xn * w + b


def _embed_kernel(pf_ref, af_ref, w_ref, b_ref, out_ref):
    pf = pf_ref[...]
    af = af_ref[...]
    w = w_ref[...]
    b = b_ref[...]
    pe = jnp.dot(pf, w.T, preferred_element_type=jnp.float32) + b
    ae = jnp.dot(af, w.T, preferred_element_type=jnp.float32) + b
    out_ref[...] = jnp.concatenate([pe, ae], axis=-1)


def kernel(points, points_aff_map, params):
    Bt, pc, N, C = points.shape
    B = Bt * pc
    aff = points_aff_map.reshape(B, N, -1)
    bmask = _binary_mask(aff, _THR)
    pts = points.reshape(B, N, C)
    pts_aff = pts * bmask
    pf_list = []
    af_list = []
    far = jnp.full((1, 1, 3), 1e9, dtype=pts.dtype)
    mcoords = jnp.where(bmask.astype(bool), pts[:, :, :3], far)
    for i, kk in enumerate(_KNN):
        gp = jnp.transpose(_knn_gather(pts, pts[:, :, :3], pts[:, :, :3], kk), (0, 3, 1, 2))
        ga = jnp.transpose(_knn_gather(pts_aff, mcoords, pts_aff[:, :, :3], kk), (0, 3, 1, 2))
        nlay = len(_MLP_LIST[i])
        feat = gp
        for j in range(nlay):
            w = params['convs'][i][j]['w']
            b = params['convs'][i][j]['b']
            feat = jax.nn.relu(_bn_plain(_conv1x1(feat, w, b)))
            if j != nlay - 1:
                feat = jnp.concatenate([feat, gp], axis=1)
        pf_list.append(jnp.max(feat, axis=-1))
        afeat = ga
        for j in range(nlay):
            w = params['convs'][i][j]['w']
            b = params['convs'][i][j]['b']
            x = afeat * bmask.reshape(B, 1, N, 1)
            x = _conv1x1(x, w, b)
            bw = params['bns'][i][j]['w']
            bb = params['bns'][i][j]['b']
            afeat = jax.nn.relu(_bn_masked(x, bmask, bw, bb))
            if j != nlay - 1:
                afeat = jnp.concatenate([afeat, ga], axis=1)
        af_list.append(jnp.max(afeat, axis=-1))
    pfeat = jnp.transpose(jnp.concatenate(pf_list, axis=1), (0, 2, 1)).reshape(B * N, -1)
    afeat2 = jnp.transpose(jnp.concatenate(af_list, axis=1), (0, 2, 1)).reshape(B * N, -1)
    out = pl.pallas_call(
        _embed_kernel,
        out_shape=jax.ShapeDtypeStruct((B * N, 2 * _EMBED), jnp.float32),
        grid=(8,),
        in_specs=[
            pl.BlockSpec((B * N // 8, 2 * _EMBED // 2), lambda i: (i, 0)),
            pl.BlockSpec((B * N // 8, 2 * _EMBED // 2), lambda i: (i, 0)),
            pl.BlockSpec((_EMBED, 2 * _EMBED // 2), lambda i: (0, 0)),
            pl.BlockSpec((1, _EMBED), lambda i: (0, 0)),
        ],
        out_specs=pl.BlockSpec((B * N // 8, 2 * _EMBED), lambda i: (i, 0)),
    )(pfeat, afeat2, params['embed_w'], params['embed_b'].reshape(1, _EMBED))
    return out.reshape(B, N, 2 * _EMBED)

# --- scband reference (transcript-rebuilt; emitter-appended) ---
"""Pipeline reference for scband-pc-encoder-74818330296426 (READ-ONLY COPY).

The authoritative reference and input builder live on the scoring server;
editing this copy changes nothing except your own understanding.
"""

import jax, jax.numpy as jnp
import numpy as np

MLP_LIST = [[64, 64, 128], [64, 96, 128]]
KNN_POINTS = [16, 32]
IN_CHANNEL = 16
EMBED_DIM = 256
THRESHOLD = 0.5


def _make_params(key):
    params = {"convs": [], "bns": []}
    k = key
    for block in MLP_LIST:
        convs = []
        bns = []
        last = IN_CHANNEL
        for out in block:
        
            k, k1 = jax.random.split(k)
            convs.append({"w": (jax.random.normal(k1, (out, last), dtype=jnp.float32) * 0.05),
                          "b": jnp.zeros((out,), dtype=jnp.float32)})
            bns.append({"w": jnp.ones((1, out, 1, 1), dtype=jnp.float32),
                        "b": jnp.zeros((1, out, 1, 1), dtype=jnp.float32)})
            last = out + IN_CHANNEL
        params["convs"].append(convs)
        params["bns"].append(bns)
    tot = sum(b[-1] for b in MLP_LIST)
    k, k1 = jax.random.split(k)
    params["embed_w"] = jax.random.normal(k1, (EMBED_DIM, tot), dtype=jnp.float32) * 0.05
    params["embed_b"] = jnp.zeros((EMBED_DIM,), dtype=jnp.float32)
    return params


def setup_inputs(seed: int = 0) -> dict:
    key = jax.random.key(seed)
    k0, k1, k2 = jax.random.split(key, 3)
    points = jax.random.normal(k0, (2, 4, 1024, 16), dtype=jnp.float32)
    points_aff_map = jax.random.uniform(k1, (2, 4, 1024, 1), dtype=jnp.float32)
    params = _make_params(k2)
    return {"points": points, "points_aff_map": points_aff_map, "params": params}


def _binary_mask(aff_map, threshold=0.5, min_coverage=0.1):
    B, N, _ = aff_map.shape
    base_mask = (aff_map > threshold).astype(jnp.float32)
    valid_batch = (jnp.sum(base_mask, axis=1, keepdims=True) > 0).astype(jnp.float32)
    adjust_mask = (1.0 - valid_batch).astype(bool)
    sorted_values = jnp.flip(jnp.sort(aff_map, axis=1), axis=1)
    k_min = max(1, int(min_coverage * N))
    dyn_min = sorted_values[:, k_min - 1:k_min, :]
    final_threshold = jnp.where(adjust_mask, dyn_min, jnp.full_like(dyn_min, threshold))
    final_threshold = jnp.broadcast_to(final_threshold, (B, N, 1))
    hard_mask = (aff_map >= final_threshold).astype(jnp.float32)
    soft_mask = aff_map * (1.0 + adjust_mask.astype(jnp.float32))
    return jax.lax.stop_gradient(hard_mask - soft_mask) + soft_mask


def _knn_gather(points, coords, qcoords, k):
    d2 = (jnp.sum(qcoords ** 2, axis=-1)[:, :, None]
          + jnp.sum(coords ** 2, axis=-1)[:, None, :]
          - 2.0 * jnp.einsum('bqc,bnc->bqn', qcoords, coords))
    dist = jnp.sqrt(jnp.clip(d2, 0.0, None))
    _, idx = jax.lax.top_k(-dist, k)
    grouped = jax.vmap(lambda p, i: p[i])(points, idx)
    return grouped


def _knn_groups(points, query, k):
    return _knn_gather(points, points[:, :, :3], query[:, :, :3], k)


def _knn_groups_mask(points, query, mask, k):
    far = jnp.full((1, 1, 3), 1e9, dtype=points.dtype)
    coords = jnp.where(mask.astype(bool), points[:, :, :3], far)
    return _knn_gather(points, coords, query[:, :, :3], k)


def _conv1x1(x, w, b):
    return jnp.einsum('bcnk,oc->bonk', x, w) + b[None, :, None, None]


def _bn_plain(x):
    mean = jnp.mean(x, axis=(0, 2, 3), keepdims=True)
    var = jnp.mean((x - mean) ** 2, axis=(0, 2, 3), keepdims=True)
    return (x - mean) / jnp.sqrt(var + 1e-5)


def _bn_masked(x, aff, w, b):
    B, C, N, k = x.shape
    a = aff.reshape(B, 1, N, 1)
    vc = jnp.sum(a, axis=(0, 2, 3), keepdims=True) + 1e-5
    mean = jnp.sum(x * a, axis=(0, 2, 3), keepdims=True) / vc
    var = jnp.sum(((x - mean) ** 2) * a, axis=(0, 2, 3), keepdims=True) / vc
    xn = (x - mean) / jnp.sqrt(var + 1e-5)
    return xn * w + b


def _forward(points, points_aff_map, params):
    Bt, pc, N, C = points.shape
    B = Bt * pc
    aff = points_aff_map.reshape(B, N, -1)
    bmask = _binary_mask(aff, THRESHOLD)
    pts = points.reshape(B, N, C)
    pts_aff = pts * bmask
    sampled = pts
    sampled_aff = pts_aff
    bsampled = bmask
    pf_list = []
    af_list = []
    for i, kk in enumerate(KNN_POINTS):
        gp = jnp.transpose(_knn_groups(pts, sampled, kk), (0, 3, 1, 2))
        ga = jnp.transpose(_knn_groups_mask(pts_aff, sampled_aff, bmask, kk), (0, 3, 1, 2))
        nlay = len(MLP_LIST[i])
        feat = gp
        for j in range(nlay):
            w = params['convs'][i][j]['w']
            b = params['convs'][i][j]['b']
            feat = jax.nn.relu(_bn_plain(_conv1x1(feat, w, b)))
            if j != nlay - 1:
                feat = jnp.concatenate([feat, gp], axis=1)
        pf_list.append(jnp.max(feat, axis=-1))
        afeat = ga
        for j in range(nlay):
            w = params['convs'][i][j]['w']
            b = params['convs'][i][j]['b']
            x = afeat * bsampled.reshape(B, 1, N, 1)
            x = _conv1x1(x, w, b)
            bw = params['bns'][i][j]['w']
            bb = params['bns'][i][j]['b']
            afeat = jax.nn.relu(_bn_masked(x, bsampled, bw, bb))
            if j != nlay - 1:
                afeat = jnp.concatenate([afeat, ga], axis=1)
        af_list.append(jnp.max(afeat, axis=-1))
    pfeat = jnp.transpose(jnp.concatenate(pf_list, axis=1), (0, 2, 1))
    afeat2 = jnp.transpose(jnp.concatenate(af_list, axis=1), (0, 2, 1))
    pe = pfeat @ params['embed_w'].T + params['embed_b']
    ae = afeat2 @ params['embed_w'].T + params['embed_b']
    return jnp.concatenate([pe, ae], axis=-1)


def reference(points, points_aff_map, params):
    return _forward(points, points_aff_map, params)

if __name__ == "__main__":
    import jax
    _d = setup_inputs()
    print(jax.jit(kernel)(*tuple(_d.values())))

</pallas_src>

<mosaic_0001>
module attributes {stable_mosaic.version = 14 : i64} {
  func.func @_embed_kernel(%arg0: i32, %arg1: memref<1024x256xf32, #tpu.memory_space<vmem>>, %arg2: memref<1024x256xf32, #tpu.memory_space<vmem>>, %arg3: memref<256x256xf32, #tpu.memory_space<vmem>>, %arg4: memref<1x256xf32, #tpu.memory_space<vmem>>, %arg5: memref<1024x512xf32, #tpu.memory_space<vmem>>) attributes {dimension_semantics = [#tpu.dimension_semantics<arbitrary>], iteration_bounds = array<i64: 8>, scalar_prefetch = 0 : i64, scratch_operands = 0 : i64, tpu.core_type = #tpu.core_type<tc>, window_params = [{transform_indices = @transform_0, window_bounds = array<i64: 1024, 256>}, {transform_indices = @transform_1, window_bounds = array<i64: 1024, 256>}, {pipeline_mode = #tpu.pipeline_mode<synchronous>, transform_indices = @transform_2, window_bounds = array<i64: 256, 256>}, {pipeline_mode = #tpu.pipeline_mode<synchronous>, transform_indices = @transform_3, window_bounds = array<i64: 1, 256>}, {transform_indices = @transform_4, window_bounds = array<i64: 1024, 512>}]} {
    %get3A = arith.constant 0 : index
    %get3A_0 = arith.constant 0 : index
    %get3A_1 = vector.load %arg1[%get3A, %get3A_0] : memref<1024x256xf32, #tpu.memory_space<vmem>>, vector<1024x256xf32>
    %get3A_2 = arith.constant 0 : index
    %get3A_3 = arith.constant 0 : index
    %get3A_4 = vector.load %arg2[%get3A_2, %get3A_3] : memref<1024x256xf32, #tpu.memory_space<vmem>>, vector<1024x256xf32>
    %get3A_5 = arith.constant 0 : index
    %get3A_6 = arith.constant 0 : index
    %get3A_7 = vector.load %arg3[%get3A_5, %get3A_6] : memref<256x256xf32, #tpu.memory_space<vmem>>, vector<256x256xf32>
    %get3A_8 = arith.constant 0 : index
    %get3A_9 = arith.constant 0 : index
    %get3A_10 = vector.load %arg4[%get3A_8, %get3A_9] : memref<1x256xf32, #tpu.memory_space<vmem>>, vector<1x256xf32>
    %transpose3A = tpu.transpose %get3A_7, [1, 0] : vector<256x256xf32> -> vector<256x256xf32>
    %dot_general3A = arith.constant dense<0.000000e+00> : vector<1024x256xf32>
    %dot_general3A_11 = tpu.matmul %get3A_1, %transpose3A, %dot_general3A {dimension_numbers = #tpu.dot_dimension_numbers<[1], [0], [0], [1], [0, 0, 1, 1], [], []>, transpose_lhs_hint = false} : vector<1024x256xf32>, vector<256x256xf32>, vector<1024x256xf32> -> vector<1024x256xf32>
    %add3A = vector.broadcast %get3A_10 : vector<1x256xf32> to vector<1024x256xf32>
    %add3A_12 = arith.addf %dot_general3A_11, %add3A : vector<1024x256xf32>
    %transpose3A_13 = tpu.transpose %get3A_7, [1, 0] : vector<256x256xf32> -> vector<256x256xf32>
    %dot_general3A_14 = arith.constant dense<0.000000e+00> : vector<1024x256xf32>
    %dot_general3A_15 = tpu.matmul %get3A_4, %transpose3A_13, %dot_general3A_14 {dimension_numbers = #tpu.dot_dimension_numbers<[1], [0], [0], [1], [0, 0, 1, 1], [], []>, transpose_lhs_hint = false} : vector<1024x256xf32>, vector<256x256xf32>, vector<1024x256xf32> -> vector<1024x256xf32>
    %add3A_16 = vector.broadcast %get3A_10 : vector<1x256xf32> to vector<1024x256xf32>
    %add3A_17 = arith.addf %dot_general3A_15, %add3A_16 : vector<1024x256xf32>
    %concatenate3A = tpu.concatenate %add3A_12, %add3A_17 in 1 : vector<1024x256xf32>, vector<1024x256xf32> -> vector<1024x512xf32>
    %swap3A = arith.constant 0 : index
    %swap3A_18 = arith.constant 0 : index
    %swap3A_19 = vector.load %arg5[%swap3A, %swap3A_18] : memref<1024x512xf32, #tpu.memory_space<vmem>>, vector<1024x512xf32>
    tpu.vector_store %arg5[%swap3A, %swap3A_18], %concatenate3A {strides = array<i32>} : memref<1024x512xf32, #tpu.memory_space<vmem>>, vector<1024x512xf32>,
    return
  }
  func.func @transform_0(%arg0: i32) -> (i32, i32) {
    %c0_i32 = arith.constant 0 : i32
    %c0_i32_0 = arith.constant 0 : i32
    return %arg0, %c0_i32 : i32, i32
  }
  func.func @transform_1(%arg0: i32) -> (i32, i32) {
    %c0_i32 = arith.constant 0 : i32
    %c0_i32_0 = arith.constant 0 : i32
    return %arg0, %c0_i32 : i32, i32
  }
  func.func @transform_2(%arg0: i32) -> (i32, i32) {
    %c0_i32 = arith.constant 0 : i32
    %c0_i32_0 = arith.constant 0 : i32
    %c0_i32_1 = arith.constant 0 : i32
    return %c0_i32, %c0_i32_0 : i32, i32
  }
  func.func @transform_3(%arg0: i32) -> (i32, i32) {
    %c0_i32 = arith.constant 0 : i32
    %c0_i32_0 = arith.constant 0 : i32
    %c0_i32_1 = arith.constant 0 : i32
    return %c0_i32, %c0_i32_0 : i32, i32
  }
  func.func @transform_4(%arg0: i32) -> (i32, i32) {
    %c0_i32 = arith.constant 0 : i32
    %c0_i32_0 = arith.constant 0 : i32
    return %arg0, %c0_i32 : i32, i32
  }
}

</mosaic_0001>

<sc_bundles>
// kernel: sparse-core-data-format-call.1.cloned.1.call-start
scs
called_computation.1_lowered:
.L_overlay_start_0:
0x0: {  	s2 =	sld [smem:$0x3FD9]  }
0x1: {  	s3 =	sld [smem:$0x3FFE];
	_ =	sdelay $0x1  }
0x2: {  	s1 =	srdreg.scid  }
0x3: {  	s0 =	sand.u32 $0x1, s1  }
0x4: {  	s18 =	sshll.u32 s0, $0xA;
	s2 =	sadd.s32 s3, s2  }
0x5: {  	s2 =	sadd.s32 s2, s18  }
0x6: {  	[smem:$0x3FAC] =	sst s2  }
0x7: {  	_ = 	snop  }
0x8: {  	(tm) =	ssettm $0x1  }
0x9: {  	s19 =	sld [smem:$0x3FFB];
	_ =	sdelay $0x3  }
0xa: {  	_ =	strace s19  }
0xb: {  	s2 =	sld [smem:$0x3FFC];
	_ =	sdelay $0x3  }
0xc: {  	_ =	strace s2  }
0xd: {  	s2 =	sld [smem:$0x3FFD];
	_ =	sdelay $0x3  }
0xe: {  	_ =	strace s2  }
0xf: {  	_ =	strace $0x8FFFFFFF  }
0x10: {  	s20 =	sld [smem:$0x3FDB];
	_ =	sdelay $0x1  }
0x11: {  	s21 =	simm.s32 $_scs_section_size  }
0x12: {  	s4 =	simm.s32 $_size__tile_overlayer_lowered;
	s5 =	simm.s32 $_tile_overlayer_lowered  }
0x13: {  	s6 =	simm.s32 $0x1BFF;
	s22 =	sshll.u32 s5, $0x1;
	s3 =	sadd.s32 s21, s20  }
0x14: {  	s23 =	simm.s32 $0x0;
	s4 =	sshll.u32 s4, $0x1;
	s5 =	sadd.s32 s22, s3  }
0x15: {  	[timem:s23], [sflag:s6] =	dma.local [hbm:s5], s4  }
0x16: {  	_ =	swait.ge [sflag:s6], s4  }
0x17: {  	s4 =	ssub.s32 $0x0, s4;
	[sflag:s6] =	ssyncset.done $0x0  }
0x18: {  	[sflag:s6] =	ssyncadd.s32 s4;
	_ =	sdelay $0x1  }
0x19: {  	s24 =	simm.s32 $0x1B8B  }
0x1a: {  	_ =	swait.ge [sflag:s24], $0x1  }
0x1b: {  	[sflag:s24] =	ssyncset.done $0x0  }
0x1c: {  	[sflag:s24] =	ssyncadd.s32 $0xFFFFFFFF  }
0x1d: {  	s4 =	sld [smem:$0x0]  }
0x1e: {  	s5 =	sand.u32 $0xFFFFFFFE, s1  }
0x1f: {  	p0 =	sne.s32 s1, s5  }
0x20: {  	s5 =	sshll.u32 @p0 s5, $0xE  }
0x21: {  	s5 =	sadd.s32 @p0 $0x11B8D, s5;
	s6 =	sshll.u32 @p0 s4, $0x11  }
0x22: {  	s5 =	sor.u32 @p0 s6, s5  }
0x23: {  	[sflag:s5] =	ssyncadd.remote.s32 @p0 $0x1;
	_ =	sdelay $0x1  }
0x24: {  	s5 =	simm.s32 @p0 $0x1B8D  }
0x25: {  	_ =	swait.eq @p0 [sflag:s5], $0x1  }
0x26: {  	[sflag:s5] =	ssyncadd.s32 @p0 $0xFFFFFFFF  }
0x27: {  	s6 =	sshll.u32 @!p0 s1, $0xE  }
0x28: {  	s6 =	sor.u32 @!p0 $0x4000, s6;
	s5 =	simm.s32 @!p0 $0x1B8D  }
0x29: {  	s4 =	sshll.u32 @!p0 s4, $0x11;
	s6 =	sadd.s32 @!p0 $0x11B8D, s6;
	_ =	swait.eq @!p0 [sflag:s5], $0x1  }
0x2a: {  	s4 =	sor.u32 @!p0 s4, s6;
	[sflag:s5] =	ssyncadd.s32 @!p0 $0xFFFFFFFF  }
0x2b: {  	s26 =	simm.s32 $0x1B8E;
	s25 =	sld [smem:$0x3FFE];
	[sflag:s4] =	ssyncadd.remote.s32 @!p0 $0x1  }
0x2c: {  	s27 =	simm.s32 $execute0_lowered;
	[smem:$0x3FD2] =	sst s26  }
0x2d: {  	s5 =	sshll.u32 s27, $0x1;
	_ =	strace $0x80000049;
	[dreg:$0x1] =	wrdreg $0xFFFFFFFF  }
0x2e: {  	s28 =	simm.s32 $_size_execute0_lowered;
	s3 =	sadd.s32 s3, s5;
	[dreg:$0x0] =	wrdreg $0x0  }
0x2f: {  	s5 =	sshll.u32 s28, $0x1;
	[dreg:$0x2] =	wrdreg s3  }
0x30: {  	[dreg:$0x3] =	wrdreg s5  }
0x31: {  	[dreg:$0x4] =	wrdreg $0xC0  }
0x32: {  	_ =	task [dreg:s23], $0x5FFFF  }
0x33: {  	[dreg:$0x1] =	wrdreg $0xFFFFFFFF  }
0x34: {  	[dreg:$0x0] =	wrdreg $0x60  }
0x35: {  	[dreg:$0x2] =	wrdreg s25  }
0x36: {  	[dreg:$0x3] =	wrdreg $0xA  }
0x37: {  	_ =	task.clear_ibuf [dreg:s23], $0x4FFFF;
	_ =	strace $0x90000049  }
0x38: {  	s29 =	simm.s32 $0xA;
	_ =	strace $0x8000004B  }
0x39: {  	_ =	swait.ge [sflag:s29], $0x1  }
0x3a: {  	[sflag:s29] =	ssyncadd.s32 $0xFFFFFFFF  }
0x3b: {  	_ =	strace $0x9000004B  }
0x3c: {  	_ =	sfence  }
0x3d: {  	s30 =	sld [smem:$0x0];
	_ =	sdelay $0x2  }
0x3e: {  	s31 =	sshll.u32 s1, $0xD;
	s1 =	sshrl.u32 s1, $0x2  }
0x3f: {  	s4 =	sand.u32 $0x4000, s31;
	s1 =	sadd.s32 s1, s30  }
0x40: {  	s0 =	sor.u32 s4, s0;
	s1 =	sshll.u32 s1, $0x11  }
0x41: {  	s0 =	sor.u32 s1, s0  }
0x42: {  	s0 =	sadd.s32 $0x8F2B, s0  }
0x43: {  	[sflag:s0] =	ssyncadd.remote.s32 $0x1  }
0x44: {  	_ =	sfence.sel $0xFFFF  }
0x45: {  	[dreg:$0x0] =	wrdreg $0xFFFFFFFF;
	(pc) =	sbr.abs _section_cstart, $3  }
0x46: {  	[dreg:$0x1] =	wrdreg $0xFFFFFFFF  }
0x47: {  	_ =	task.clear_ibuf [dreg:s23], $0x2FFFF;
	_ =	strace $0x9FFFFFFF  }
0x48: {  	(tm) =	ssettm $0x7FFFFFFF  }
0x49: {  	_ =	shalt  }
tec
execute0_lowered:
.L_overlay_start_1:
0x0: {  	(tag) =	ssettag $0x1  }
0x1: {  	s0 =	stileid.u32;
	s1 =	srdreg.scid  }
0x2: {  	s4 =	rddreg [dreg:$0x0];
	s7 =	simm.s32 $0x1;
	s31 =	simm.s32 $0x2  }
0x3: {  	s16 =	simm.s32 $0x0;
	s2 =	sshll.u32 s0, $0x4;
	s1 =	sshll.u32 s1, $0x8  }
0x4: {  	s9 =	simm.s32 $0x2000;
	s14 =	simm.s32 $0x0;
	s1 =	sor.u32 s2, s1  }
0x5: {  	s15 =	simm.s32 $0x0;
	s10 =	simm.s32 $0x0;
	s2 =	sand.u32 $0x180, s1  }
0x6: {  	s13 =	simm.s32 $0x0;
	s3 =	sadd.s32 $0x200400, s4;
	s5 =	ssub.s32 $0x400, s2  }
0x7: {  	s4 =	sadd.s32 $0x300400, s4;
	s1 =	rddreg [dreg:$0x1];
	s6 =	sand.u32 $0x180, s5  }
.Ltmp0:
0x8: {  	_ =	strace $0x8000004A;
	p0 =	sne.s32 s6, $0x0;
	(pc) =	sbr.rel .LBB1_1-.Ltmp0, $4  }
0x9: {  	s11 =	smov.u32 s2;
	s8 =	sshrl.u32 s5, $0x9;
	s7 =	simm.s32 @!p0 $0x0  }
0xa: {  	s5 =	sand.u32 $0x7, s0;
	s6 =	simm.s32 $0x1;
	s7 =	sadd.s32 s7, s8  }
0xb: {  	s12 =	smov.u32 s5;
	[sflag:s6] =	ssyncpa.u1 $0x0;
	s7 =	sshll.u32 s7, $0x3  }
0xc: {  	p0 =	por $0x0, $0x0;
	[sflag:s31] =	ssyncpa.u1 $0x0;
	s8 =	sor.u32 $0x1, s7  }
.LBB1_4:
0xd: {  	v5 =	vld [tilespmem:s20+$0xFFFFFFD0];
	[tilespmem:s19+$0x2040 ss:$0x81] =	vst.msk $0xffff, v1  }
0xe: {  	v58 =	vld [tilespmem:s20+$0xFFFFFFE0];
	[tilespmem:s19+$0x2850 ss:$0x81] =	vst.msk $0xffff, v2  }
0xf: {  	s21 =	sshra.s32 s21, $0x2;
	v59 =	vld [tilespmem:s20+$0xFFFFFFF0];
	[tilespmem:s19+$0x3060 ss:$0x81] =	vst.msk $0xffff, v3  }
0x10: {  	v60 =	vld [tilespmem:s20+$0x0];
	[tilespmem:s19+$0x0 ss:$0x81] =	vst.msk $0xffff, v0;
	s18 =	sadd.s32 s21, s18  }
0x11: {  	v61 =	vld [tilespmem:s20+$0x10];
	[tilespmem:s18+$0x3870 ss:$0x81] =	vst.msk $0xffff, v4  }
0x12: {  	v62 =	vld [tilespmem:s20+$0x20];
	s26 =	sshll.u32 s16, $0xA;
	s27 =	sshll.u32 s14, $0x3;
	[tilespmem:s18+$0x810 ss:$0x81] =	vst.msk $0xffff, v5  }
0x13: {  	v63 =	vld [tilespmem:s20+$0xFFFFFFC0];
	s29 =	sshll.u32 s16, $0x7;
	s30 =	sand.u32 $0x78, s14;
	s15 =	sshll.u32 s15, $0x11;
	[tilespmem:s18+$0x1020 ss:$0x81] =	vst.msk $0xffff, v58  }
0x14: {  	s19 =	sand.u32 $0xFE000, s26;
	s28 =	sand.u32 $0xFFC00, s27;
	s16 =	sand.u32 $0x380, s29;
	[tilespmem:s18+$0x1830 ss:$0x81] =	vst.msk $0xffff, v59  }
0x15: {  	s31 =	sand.u32 $0x7, s14;
	s19 =	sadd.s32 s28, s19;
	s16 =	sor.u32 s30, s16;
	[tilespmem:s18+$0x2040 ss:$0x81] =	vst.msk $0xffff, v60  }
0x16: {  	s15 =	sadd.s32 s4, s15;
	s19 =	sshrl.u32 s19, $0x3;
	s16 =	sshrl.u32 s16, $0x3;
	[tilespmem:s18+$0x2850 ss:$0x81] =	vst.msk $0xffff, v61  }
0x17: {  	s14 =	sshll.u32 s31, $0x12;
	s19 =	sand.u32 $0x1FF80, s19;
	s15 =	sadd.s32 s16, s15;
	[tilespmem:s18+$0x3060 ss:$0x81] =	vst.msk $0xffff, v62  }
0x18: {  	s14 =	sor.u32 $0x400, s14;
	[tilespmem:s18+$0x0 ss:$0x81] =	vst.msk $0xffff, v63;
	s15 =	sadd.s32 s19, s15  }
0x19: {  	[hbm4b:s15+s14] =	stream.strided.scatter [tilespmem:s17], [sflag:$0x2], $0x4000, s9, s14, $0x20;
	[tilespmem:$0x10100] =	vst v63  }
.LBB1_5:
0x1a: {  	s17 =	sadd.s32 $0x80, s10  }
0x1b: {  	s14 =	sadd.s32 $0x200, s11;
	s18 =	smov.u32 s11;
	p2 =	sgt.s32 s17, $0x3FF  }
0x1c: {  	s18 =	smov.u32 @p2 s14  }
0x1d: {  	s20 =	smov.u32 s12;
	s14 =	sadd.s32 $0x8, s12;
	p3 =	sgt.s32 s18, $0x3FF  }
0x1e: {  	s20 =	smov.u32 @p3 s14  }
0x1f: {  	s17 =	simm.s32 @p2 $0x0;
	p2 =	sgt.s32 s20, $0x7  }
0x20: {  	p1 =	slt.u32 s13, $0x2;
	s20 =	smov.u32 @p2 s5;
	p2 =	sne.s32 s13, s8  }
.Ltmp1:
0x21: {  	s19 =	simm.s32 @!p1 $0x2;
	(pc) =	sbr.rel @!p2 .LBB1_6-.Ltmp1, $4  }
0x22: {  	s16 =	smov.u32 s10;
	s15 =	smov.u32 s12;
	_ =	swait.ge @!p1 [sflag:s19], $0x4000  }
0x23: {  	p0 =	por !p0, !p0;
	[sflag:s19] =	ssyncset.done @!p1 $0x0;
	s10 =	smov.u32 s17  }
0x24: {  	s18 =	smov.u32 @p3 s2;
	s14 =	smov.u32 s11;
	[sflag:s19] =	ssyncadd.s32 @!p1 $0xFFFFC000  }
0x25: {  	s11 =	smov.u32 s18;
	s13 =	sadd.s32 $0x1, s13;
	s12 =	smov.u32 s20  }
.LBB1_1:
0x26: {  	p1 =	sge.u32 s13, s7  }
0x27: {  	s31 =	sadd.s32 $0xFFFFFFFF, s13;
	s17 =	sshll.u32 @!p1 s11, $0x7  }
0x28: {  	s18 =	sxor.u32 @!p1 $0xFFFFFFFF, s13;
	s19 =	sand.u32 @!p1 $0x78, s10;
	s20 =	sand.u32 @!p1 $0x380, s17  }
0x29: {  	s18 =	sshll.u32 @!p1 s18, $0xE;
	s19 =	sor.u32 @!p1 s19, s20;
	s20 =	sshll.u32 @!p1 s12, $0x11  }
0x2a: {  	s17 =	sand.u32 @!p1 $0x1FC00, s17;
	s19 =	sshrl.u32 @!p1 s19, $0x3;
	s20 =	sadd.s32 @!p1 s3, s20  }
0x2b: {  	s17 =	sadd.s32 @!p1 s10, s17;
	s19 =	sadd.s32 @!p1 s19, s20;
	s20 =	sand.u32 @!p1 $0x7, s10  }
0x2c: {  	s18 =	sand.u32 @!p1 $0x4000, s18;
	s17 =	sand.u32 @!p1 $0x1FF80, s17;
	s20 =	sshll.u32 @!p1 s20, $0x12  }
0x2d: {  	s17 =	sadd.s32 @!p1 s17, s19;
	s19 =	sor.u32 @!p1 $0x400, s20;
	s20 =	simm.s32 @!p1 $0x2000  }
0x2e: {  	[tilespmem:s18], [sflag:$0x1] =	stream.strided.gather @!p1 [hbm4b:s17+s19], $0x4000, s20, s19, $0x38;
	[tilespmem:$0x10100] =	vst v63  }
0x2f: {  	p1 =	sge.u32 s31, s7  }
.Ltmp2:
0x30: {  	_ = 	snop;
	(pc) =	sbr.rel @p1 .LBB1_5-.Ltmp2, $1  }
0x31: {  	_ =	sdelay $0x3  }
0x32: {  	s17 =	simm.s32 $0x1  }
0x33: {  	_ =	swait.ge [sflag:s6], $0x4000;
	s17 =	simm.s32 @!p0 $0x0  }
0x34: {  	[sflag:s6] =	ssyncset.done $0x0;
	s18 =	sshll.u32 s17, $0xE  }
0x35: {  	[sflag:s6] =	ssyncadd.s32 $0xFFFFC000;
	s20 =	sor.u32 $0x40, s18  }
0x36: {  	s17 =	smul.u32 $0x10200, s17;
	v0 =	vld [tilespmem:s20+$0x30]  }
0x37: {  	v3 =	vld [tilespmem:s20+$0xFFFFFFD0]  }
0x38: {  	s17 =	sshrl.u32 s17, $0x2;
	v4 =	vld [tilespmem:s20+$0xFFFFFFE0]  }
0x39: {  	v5 =	vld [tilespmem:s20+$0xFFFFFFF0];
	s18 =	sor.u32 $0x8000, s17  }
0x3a: {  	s31 =	sand.u32 $0x1, s13;
	v1 =	vld [tilespmem:s20+$0x0];
	s19 =	sadd.s32 $0x0, s18  }
0x3b: {  	v2 =	vld [tilespmem:s20+$0x10];
	s17 =	smul.u32 $0x10200, s31;
	[tilespmem:s19+$0x3870 ss:$0x81] =	vst.msk $0xffff, v0  }
0x3c: {  	[tilespmem:s19+$0x810 ss:$0x81] =	vst.msk $0xffff, v3;
	v3 =	vld [tilespmem:s20+$0x20]  }
0x3d: {  	s17 =	sshrl.u32 s17, $0x2;
	v0 =	vld [tilespmem:s20+$0xFFFFFFC0];
	[tilespmem:s19+$0x1020 ss:$0x81] =	vst.msk $0xffff, v4;
	s20 =	sadd.s32 $0x80, s20  }
0x3e: {  	s21 =	simm.s32 $0x4;
	s22 =	simm.s32 $0x8;
	s17 =	sor.u32 $0x8000, s17;
	[tilespmem:s19+$0x1830 ss:$0x81] =	vst.msk $0xffff, v5;
	v4 =	vld [tilespmem:s20+$0x30]  }
.LBB1_3:
0x3f: {  	p1 =	sne.s32 s22, $0x1FC;
	v5 =	vld [tilespmem:s20+$0xFFFFFFD0];
	[tilespmem:s19+$0x2040 ss:$0x81] =	vst.msk $0xffff, v1  }
0x40: {  	v6 =	vld [tilespmem:s20+$0xFFFFFFE0];
	[tilespmem:s19+$0x2850 ss:$0x81] =	vst.msk $0xffff, v2  }
0x41: {  	s23 =	sshra.s32 s21, $0x2;
	s21 =	smov.u32 s22;
	v7 =	vld [tilespmem:s20+$0xFFFFFFF0];
	[tilespmem:s19+$0x3060 ss:$0x81] =	vst.msk $0xffff, v3  }
.Ltmp3:
0x42: {  	v1 =	vld [tilespmem:s20+$0x0];
	[tilespmem:s19+$0x0 ss:$0x81] =	vst.msk $0xffff, v0;
	s19 =	sadd.s32 s23, s18;
	(pc) =	sbr.rel @p1 .LBB1_3-.Ltmp3, $4  }
0x43: {  	v2 =	vld [tilespmem:s20+$0x10];
	[tilespmem:s19+$0x3870 ss:$0x81] =	vst.msk $0xffff, v4  }
0x44: {  	[tilespmem:s19+$0x810 ss:$0x81] =	vst.msk $0xffff, v5;
	v3 =	vld [tilespmem:s20+$0x20]  }
0x45: {  	v0 =	vld [tilespmem:s20+$0xFFFFFFC0];
	[tilespmem:s19+$0x1020 ss:$0x81] =	vst.msk $0xffff, v6;
	s20 =	sadd.s32 $0x80, s20  }
0x46: {  	s22 =	sadd.s32 $0x4, s22;
	v4 =	vld [tilespmem:s20+$0x30];
	[tilespmem:s19+$0x1830 ss:$0x81] =	vst.msk $0xffff, v7  }
.Ltmp4:
0x47: {  	_ = 	snop;
	(pc) =	sbr.rel .LBB1_4-.Ltmp4, $1  }
0x48: {  	_ =	sdelay $0x3  }
.LBB1_6:
0x49: {  	_ =	sfence.sel $0x180000  }
0x4a: {  	s2 =	simm.s32 $0x1;
	[bflag:$0x0] =	sbarrier.arrive $0xFFFF  }
0x4b: {  	s31 =	simm.s32 $0x2;
	[sflag:s2] =	ssyncpa.u1 $0x1  }
0x4c: {  	[sflag:s31] =	ssyncpa.u1 $0x1  }
0x4d: {  	p0 =	sne.s32 s0, $0x0;
	_ =	strace $0x9000004A  }
0x4e: {  	s0 =	sadd.s32 @!p0 $0x100000, s1;
	[bflag:$0x2] =	sbarrier.arrive $0xFFFF  }
0x4f: {  	[sflag:s0] =	ssyncadd.tile.s32 @!p0 $0x1;
	_ =	shalt  }
.Lfunc_end1:
_tile_overlayer_lowered:
.L_overlay_start_2:
0x50: {  	(tag) =	ssettag $0x2  }
0x51: {  	s0 =	rddreg [dreg:$0x0];
	s2 =	stileid.u32  }
0x52: {  	s1 =	rddreg [dreg:$0x1];
	p0 =	sne.s32 s2, $0x0  }
0x53: {  	s3 =	rddreg [dreg:$0x2];
	[bflag:$0x3] =	sbarrier.arrive $0xFFFF;
	s2 =	simm.s32 @!p0 $0x1C01  }
0x54: {  	[timem:s3], [sflag:s2] =	dma.local @!p0 [hbm:s0], s1  }
0x55: {  	s0 =	simm.s32 @!p0 $0x1  }
0x56: {  	_ =	swait.ge @!p0 [sflag:s0], s1  }
0x57: {  	s1 =	ssub.s32 @!p0 $0x0, s1;
	[sflag:s0] =	ssyncset.done @!p0 $0x0  }
0x58: {  	[sflag:s0] =	ssyncadd.s32 @!p0 s1  }
0x59: {  	[bflag:$0x3] =	sbarrier.arrive $0xFFFF  }
0x5a: {  	_ =	shalt  }

// kernel: sparse-core-data-format-call.cloned.1.call-start
scs
called_computation_lowered:
.L_overlay_start_0:
0x0: {  	s1 =	sld [smem:$0x3FD9]  }
0x1: {  	s2 =	sld [smem:$0x3FFE];
	_ =	sdelay $0x1  }
0x2: {  	s3 =	srdreg.scid  }
0x3: {  	s0 =	sand.u32 $0x1, s3  }
0x4: {  	s17 =	sshll.u32 s0, $0xA;
	s1 =	sadd.s32 s2, s1  }
0x5: {  	s1 =	sadd.s32 s1, s17  }
0x6: {  	[smem:$0x3FAC] =	sst s1  }
0x7: {  	_ = 	snop  }
0x8: {  	(tm) =	ssettm $0x1  }
0x9: {  	s18 =	sld [smem:$0x3FFB];
	_ =	sdelay $0x3  }
0xa: {  	_ =	strace s18  }
0xb: {  	s1 =	sld [smem:$0x3FFC];
	_ =	sdelay $0x3  }
0xc: {  	_ =	strace s1  }
0xd: {  	s1 =	sld [smem:$0x3FFD];
	_ =	sdelay $0x3  }
0xe: {  	_ =	strace s1  }
0xf: {  	_ =	strace $0x8FFFFFFF  }
0x10: {  	s19 =	sld [smem:$0x3FDB];
	_ =	sdelay $0x1  }
0x11: {  	s20 =	simm.s32 $_scs_section_size  }
0x12: {  	s4 =	simm.s32 $_size__tile_overlayer_lowered;
	s5 =	simm.s32 $_tile_overlayer_lowered  }
0x13: {  	s23 =	simm.s32 $0x1BFF;
	s22 =	sshll.u32 s5, $0x1;
	s1 =	sadd.s32 s20, s19  }
0x14: {  	s6 =	simm.s32 $0x0;
	s21 =	sshll.u32 s4, $0x1;
	s4 =	sadd.s32 s22, s1  }
0x15: {  	[timem:s6], [sflag:s23] =	dma.local [hbm:s4], s21  }
0x16: {  	_ =	swait.ge [sflag:s23], s21  }
0x17: {  	s2 =	ssub.s32 $0x0, s21;
	[sflag:s23] =	ssyncset.done $0x0  }
0x18: {  	[sflag:s23] =	ssyncadd.s32 s2;
	_ =	sdelay $0x1  }
0x19: {  	s24 =	simm.s32 $0x1B8B  }
0x1a: {  	_ =	swait.ge [sflag:s24], $0x1  }
0x1b: {  	[sflag:s24] =	ssyncset.done $0x0  }
0x1c: {  	s26 =	simm.s32 $0x1B8E;
	s25 =	sld [smem:$0x3FFE];
	[sflag:s24] =	ssyncadd.s32 $0xFFFFFFFF  }
0x1d: {  	s27 =	simm.s32 $execute0_lowered;
	[smem:$0x3FD2] =	sst s26  }
0x1e: {  	s4 =	sshll.u32 s27, $0x1;
	_ =	strace $0x80000046;
	[dreg:$0x1] =	wrdreg $0xFFFFFFFF  }
0x1f: {  	s28 =	simm.s32 $_size_execute0_lowered;
	s1 =	sadd.s32 s1, s4;
	[dreg:$0x0] =	wrdreg $0x0  }
0x20: {  	s4 =	sshll.u32 s28, $0x1;
	[dreg:$0x2] =	wrdreg s1  }
0x21: {  	[dreg:$0x3] =	wrdreg s4  }
0x22: {  	[dreg:$0x4] =	wrdreg $0xC0  }
0x23: {  	_ =	task [dreg:s6], $0x5FFFF  }
0x24: {  	[dreg:$0x1] =	wrdreg $0xFFFFFFFF  }
0x25: {  	[dreg:$0x0] =	wrdreg $0x60  }
0x26: {  	[dreg:$0x2] =	wrdreg s25  }
0x27: {  	[dreg:$0x3] =	wrdreg $0x9  }
0x28: {  	_ =	task.clear_ibuf [dreg:s6], $0x4FFFF;
	_ =	strace $0x90000046  }
0x29: {  	s29 =	simm.s32 $0x9;
	_ =	strace $0x80000048  }
0x2a: {  	_ =	swait.ge [sflag:s29], $0x1  }
0x2b: {  	[sflag:s29] =	ssyncadd.s32 $0xFFFFFFFF  }
0x2c: {  	_ =	strace $0x90000048  }
0x2d: {  	_ =	sfence  }
0x2e: {  	s30 =	sld [smem:$0x0];
	_ =	sdelay $0x2  }
0x2f: {  	s31 =	sshll.u32 s3, $0xD;
	s3 =	sshrl.u32 s3, $0x2  }
0x30: {  	s2 =	sand.u32 $0x4000, s31;
	s1 =	sadd.s32 s3, s30  }
0x31: {  	s0 =	sor.u32 s2, s0;
	s1 =	sshll.u32 s1, $0x11  }
0x32: {  	s0 =	sor.u32 s1, s0  }
0x33: {  	s0 =	sadd.s32 $0x8F2B, s0  }
0x34: {  	[sflag:s0] =	ssyncadd.remote.s32 $0x1  }
0x35: {  	_ =	sfence.sel $0xFFFF  }
0x36: {  	[dreg:$0x0] =	wrdreg $0xFFFFFFFF;
	(pc) =	sbr.abs _section_cstart, $3  }
0x37: {  	[dreg:$0x1] =	wrdreg $0xFFFFFFFF  }
0x38: {  	_ =	task.clear_ibuf [dreg:s6], $0x2FFFF;
	_ =	strace $0x9FFFFFFF  }
0x39: {  	(tm) =	ssettm $0x7FFFFFFF  }
tec
execute0_lowered:
.L_overlay_start_1:
0x0: {  	(tag) =	ssettag $0x1  }
0x1: {  	s0 =	stileid.u32;
	s1 =	srdreg.scid  }
0x2: {  	s4 =	rddreg [dreg:$0x0];
	s7 =	simm.s32 $0x1;
	s31 =	simm.s32 $0x2  }
0x3: {  	s16 =	simm.s32 $0x0;
	s2 =	sshll.u32 s0, $0x4;
	s1 =	sshll.u32 s1, $0x8  }
0x4: {  	s9 =	simm.s32 $0x2000;
	s14 =	simm.s32 $0x0;
	s1 =	sor.u32 s2, s1  }
0x5: {  	s15 =	simm.s32 $0x0;
	s10 =	simm.s32 $0x0;
	s2 =	sand.u32 $0x180, s1  }
0x6: {  	s13 =	simm.s32 $0x0;
	s3 =	sadd.s32 $0x400, s4;
	s5 =	ssub.s32 $0x400, s2  }
0x7: {  	s4 =	sadd.s32 $0x100400, s4;
	s1 =	rddreg [dreg:$0x1];
	s6 =	sand.u32 $0x180, s5  }
.Ltmp0:
0x8: {  	_ =	strace $0x80000047;
	p0 =	sne.s32 s6, $0x0;
	(pc) =	sbr.rel .LBB1_1-.Ltmp0, $4  }
0x9: {  	s11 =	smov.u32 s2;
	s8 =	sshrl.u32 s5, $0x9;
	s7 =	simm.s32 @!p0 $0x0  }
0xa: {  	s5 =	sand.u32 $0x7, s0;
	s6 =	simm.s32 $0x1;
	s7 =	sadd.s32 s7, s8  }
0xb: {  	s12 =	smov.u32 s5;
	[sflag:s6] =	ssyncpa.u1 $0x0;
	s7 =	sshll.u32 s7, $0x3  }
0xc: {  	p0 =	por $0x0, $0x0;
	[sflag:s31] =	ssyncpa.u1 $0x0;
	s8 =	sor.u32 $0x1, s7  }
.LBB1_4:
0xd: {  	v5 =	vld [tilespmem:s20+$0xFFFFFFD0];
	[tilespmem:s19+$0x2040 ss:$0x81] =	vst.msk $0xffff, v1  }
0xe: {  	v58 =	vld [tilespmem:s20+$0xFFFFFFE0];
	[tilespmem:s19+$0x2850 ss:$0x81] =	vst.msk $0xffff, v2  }
0xf: {  	s21 =	sshra.s32 s21, $0x2;
	v59 =	vld [tilespmem:s20+$0xFFFFFFF0];
	[tilespmem:s19+$0x3060 ss:$0x81] =	vst.msk $0xffff, v3  }
0x10: {  	v60 =	vld [tilespmem:s20+$0x0];
	[tilespmem:s19+$0x0 ss:$0x81] =	vst.msk $0xffff, v0;
	s18 =	sadd.s32 s21, s18  }
0x11: {  	v61 =	vld [tilespmem:s20+$0x10];
	[tilespmem:s18+$0x3870 ss:$0x81] =	vst.msk $0xffff, v4  }
0x12: {  	v62 =	vld [tilespmem:s20+$0x20];
	s26 =	sshll.u32 s16, $0xA;
	s27 =	sshll.u32 s14, $0x3;
	[tilespmem:s18+$0x810 ss:$0x81] =	vst.msk $0xffff, v5  }
0x13: {  	v63 =	vld [tilespmem:s20+$0xFFFFFFC0];
	s29 =	sshll.u32 s16, $0x7;
	s30 =	sand.u32 $0x78, s14;
	s15 =	sshll.u32 s15, $0x11;
	[tilespmem:s18+$0x1020 ss:$0x81] =	vst.msk $0xffff, v58  }
0x14: {  	s19 =	sand.u32 $0xFE000, s26;
	s28 =	sand.u32 $0xFFC00, s27;
	s16 =	sand.u32 $0x380, s29;
	[tilespmem:s18+$0x1830 ss:$0x81] =	vst.msk $0xffff, v59  }
0x15: {  	s31 =	sand.u32 $0x7, s14;
	s19 =	sadd.s32 s28, s19;
	s16 =	sor.u32 s30, s16;
	[tilespmem:s18+$0x2040 ss:$0x81] =	vst.msk $0xffff, v60  }
0x16: {  	s15 =	sadd.s32 s4, s15;
	s19 =	sshrl.u32 s19, $0x3;
	s16 =	sshrl.u32 s16, $0x3;
	[tilespmem:s18+$0x2850 ss:$0x81] =	vst.msk $0xffff, v61  }
0x17: {  	s14 =	sshll.u32 s31, $0x12;
	s19 =	sand.u32 $0x1FF80, s19;
	s15 =	sadd.s32 s16, s15;
	[tilespmem:s18+$0x3060 ss:$0x81] =	vst.msk $0xffff, v62  }
0x18: {  	s14 =	sor.u32 $0x400, s14;
	[tilespmem:s18+$0x0 ss:$0x81] =	vst.msk $0xffff, v63;
	s15 =	sadd.s32 s19, s15  }
0x19: {  	[hbm4b:s15+s14] =	stream.strided.scatter [tilespmem:s17], [sflag:$0x2], $0x4000, s9, s14, $0x20;
	[tilespmem:$0x10100] =	vst v63  }
.LBB1_5:
0x1a: {  	s17 =	sadd.s32 $0x80, s10  }
0x1b: {  	s14 =	sadd.s32 $0x200, s11;
	s18 =	smov.u32 s11;
	p2 =	sgt.s32 s17, $0x3FF  }
0x1c: {  	s18 =	smov.u32 @p2 s14  }
0x1d: {  	s20 =	smov.u32 s12;
	s14 =	sadd.s32 $0x8, s12;
	p3 =	sgt.s32 s18, $0x3FF  }
0x1e: {  	s20 =	smov.u32 @p3 s14  }
0x1f: {  	s17 =	simm.s32 @p2 $0x0;
	p2 =	sgt.s32 s20, $0x7  }
0x20: {  	p1 =	slt.u32 s13, $0x2;
	s20 =	smov.u32 @p2 s5;
	p2 =	sne.s32 s13, s8  }
.Ltmp1:
0x21: {  	s19 =	simm.s32 @!p1 $0x2;
	(pc) =	sbr.rel @!p2 .LBB1_6-.Ltmp1, $4  }
0x22: {  	s16 =	smov.u32 s10;
	s15 =	smov.u32 s12;
	_ =	swait.ge @!p1 [sflag:s19], $0x4000  }
0x23: {  	p0 =	por !p0, !p0;
	[sflag:s19] =	ssyncset.done @!p1 $0x0;
	s10 =	smov.u32 s17  }
0x24: {  	s18 =	smov.u32 @p3 s2;
	s14 =	smov.u32 s11;
	[sflag:s19] =	ssyncadd.s32 @!p1 $0xFFFFC000  }
0x25: {  	s11 =	smov.u32 s18;
	s13 =	sadd.s32 $0x1, s13;
	s12 =	smov.u32 s20  }
.LBB1_1:
0x26: {  	p1 =	sge.u32 s13, s7  }
0x27: {  	s31 =	sadd.s32 $0xFFFFFFFF, s13;
	s17 =	sshll.u32 @!p1 s11, $0x7  }
0x28: {  	s18 =	sxor.u32 @!p1 $0xFFFFFFFF, s13;
	s19 =	sand.u32 @!p1 $0x78, s10;
	s20 =	sand.u32 @!p1 $0x380, s17  }
0x29: {  	s18 =	sshll.u32 @!p1 s18, $0xE;
	s19 =	sor.u32 @!p1 s19, s20;
	s20 =	sshll.u32 @!p1 s12, $0x11  }
0x2a: {  	s17 =	sand.u32 @!p1 $0x1FC00, s17;
	s19 =	sshrl.u32 @!p1 s19, $0x3;
	s20 =	sadd.s32 @!p1 s3, s20  }
0x2b: {  	s17 =	sadd.s32 @!p1 s10, s17;
	s19 =	sadd.s32 @!p1 s19, s20;
	s20 =	sand.u32 @!p1 $0x7, s10  }
0x2c: {  	s18 =	sand.u32 @!p1 $0x4000, s18;
	s17 =	sand.u32 @!p1 $0x1FF80, s17;
	s20 =	sshll.u32 @!p1 s20, $0x12  }
0x2d: {  	s17 =	sadd.s32 @!p1 s17, s19;
	s19 =	sor.u32 @!p1 $0x400, s20;
	s20 =	simm.s32 @!p1 $0x2000  }
0x2e: {  	[tilespmem:s18], [sflag:$0x1] =	stream.strided.gather @!p1 [hbm4b:s17+s19], $0x4000, s20, s19, $0x38;
	[tilespmem:$0x10100] =	vst v63  }
0x2f: {  	p1 =	sge.u32 s31, s7  }
.Ltmp2:
0x30: {  	_ = 	snop;
	(pc) =	sbr.rel @p1 .LBB1_5-.Ltmp2, $1  }
0x31: {  	_ =	sdelay $0x3  }
0x32: {  	s17 =	simm.s32 $0x1  }
0x33: {  	_ =	swait.ge [sflag:s6], $0x4000;
	s17 =	simm.s32 @!p0 $0x0  }
0x34: {  	[sflag:s6] =	ssyncset.done $0x0;
	s18 =	sshll.u32 s17, $0xE  }
0x35: {  	[sflag:s6] =	ssyncadd.s32 $0xFFFFC000;
	s20 =	sor.u32 $0x40, s18  }
0x36: {  	s17 =	smul.u32 $0x10200, s17;
	v0 =	vld [tilespmem:s20+$0x30]  }
0x37: {  	v3 =	vld [tilespmem:s20+$0xFFFFFFD0]  }
0x38: {  	s17 =	sshrl.u32 s17, $0x2;
	v4 =	vld [tilespmem:s20+$0xFFFFFFE0]  }
0x39: {  	v5 =	vld [tilespmem:s20+$0xFFFFFFF0];
	s18 =	sor.u32 $0x8000, s17  }
0x3a: {  	s31 =	sand.u32 $0x1, s13;
	v1 =	vld [tilespmem:s20+$0x0];
	s19 =	sadd.s32 $0x0, s18  }
0x3b: {  	v2 =	vld [tilespmem:s20+$0x10];
	s17 =	smul.u32 $0x10200, s31;
	[tilespmem:s19+$0x3870 ss:$0x81] =	vst.msk $0xffff, v0  }
0x3c: {  	[tilespmem:s19+$0x810 ss:$0x81] =	vst.msk $0xffff, v3;
	v3 =	vld [tilespmem:s20+$0x20]  }
0x3d: {  	s17 =	sshrl.u32 s17, $0x2;
	v0 =	vld [tilespmem:s20+$0xFFFFFFC0];
	[tilespmem:s19+$0x1020 ss:$0x81] =	vst.msk $0xffff, v4;
	s20 =	sadd.s32 $0x80, s20  }
0x3e: {  	s21 =	simm.s32 $0x4;
	s22 =	simm.s32 $0x8;
	s17 =	sor.u32 $0x8000, s17;
	[tilespmem:s19+$0x1830 ss:$0x81] =	vst.msk $0xffff, v5;
	v4 =	vld [tilespmem:s20+$0x30]  }
.LBB1_3:
0x3f: {  	p1 =	sne.s32 s22, $0x1FC;
	v5 =	vld [tilespmem:s20+$0xFFFFFFD0];
	[tilespmem:s19+$0x2040 ss:$0x81] =	vst.msk $0xffff, v1  }
0x40: {  	v6 =	vld [tilespmem:s20+$0xFFFFFFE0];
	[tilespmem:s19+$0x2850 ss:$0x81] =	vst.msk $0xffff, v2  }
0x41: {  	s23 =	sshra.s32 s21, $0x2;
	s21 =	smov.u32 s22;
	v7 =	vld [tilespmem:s20+$0xFFFFFFF0];
	[tilespmem:s19+$0x3060 ss:$0x81] =	vst.msk $0xffff, v3  }
.Ltmp3:
0x42: {  	v1 =	vld [tilespmem:s20+$0x0];
	[tilespmem:s19+$0x0 ss:$0x81] =	vst.msk $0xffff, v0;
	s19 =	sadd.s32 s23, s18;
	(pc) =	sbr.rel @p1 .LBB1_3-.Ltmp3, $4  }
0x43: {  	v2 =	vld [tilespmem:s20+$0x10];
	[tilespmem:s19+$0x3870 ss:$0x81] =	vst.msk $0xffff, v4  }
0x44: {  	[tilespmem:s19+$0x810 ss:$0x81] =	vst.msk $0xffff, v5;
	v3 =	vld [tilespmem:s20+$0x20]  }
0x45: {  	v0 =	vld [tilespmem:s20+$0xFFFFFFC0];
	[tilespmem:s19+$0x1020 ss:$0x81] =	vst.msk $0xffff, v6;
	s20 =	sadd.s32 $0x80, s20  }
0x46: {  	s22 =	sadd.s32 $0x4, s22;
	v4 =	vld [tilespmem:s20+$0x30];
	[tilespmem:s19+$0x1830 ss:$0x81] =	vst.msk $0xffff, v7  }
.Ltmp4:
0x47: {  	_ = 	snop;
	(pc) =	sbr.rel .LBB1_4-.Ltmp4, $1  }
0x48: {  	_ =	sdelay $0x3  }
.LBB1_6:
0x49: {  	_ =	sfence.sel $0x180000  }
0x4a: {  	s2 =	simm.s32 $0x1;
	[bflag:$0x0] =	sbarrier.arrive $0xFFFF  }
0x4b: {  	s31 =	simm.s32 $0x2;
	[sflag:s2] =	ssyncpa.u1 $0x1  }
0x4c: {  	[sflag:s31] =	ssyncpa.u1 $0x1  }
0x4d: {  	p0 =	sne.s32 s0, $0x0;
	_ =	strace $0x90000047  }
0x4e: {  	s0 =	sadd.s32 @!p0 $0x100000, s1;
	[bflag:$0x2] =	sbarrier.arrive $0xFFFF  }
0x4f: {  	[sflag:s0] =	ssyncadd.tile.s32 @!p0 $0x1;
	_ =	shalt  }
.Lfunc_end1:
_tile_overlayer_lowered:
.L_overlay_start_2:
0x50: {  	(tag) =	ssettag $0x2  }
0x51: {  	s0 =	rddreg [dreg:$0x0];
	s2 =	stileid.u32  }
0x52: {  	s1 =	rddreg [dreg:$0x1];
	p0 =	sne.s32 s2, $0x0  }
0x53: {  	s3 =	rddreg [dreg:$0x2];
	[bflag:$0x3] =	sbarrier.arrive $0xFFFF;
	s2 =	simm.s32 @!p0 $0x1C01  }
0x54: {  	[timem:s3], [sflag:s2] =	dma.local @!p0 [hbm:s0], s1  }
0x55: {  	s0 =	simm.s32 @!p0 $0x1  }
0x56: {  	_ =	swait.ge @!p0 [sflag:s0], s1  }
0x57: {  	s1 =	ssub.s32 @!p0 $0x0, s1;
	[sflag:s0] =	ssyncset.done @!p0 $0x0  }
0x58: {  	[sflag:s0] =	ssyncadd.s32 @!p0 s1  }
0x59: {  	[bflag:$0x3] =	sbarrier.arrive $0xFFFF  }
0x5a: {  	_ =	shalt  }

</sc_bundles>
